<compile_context>
chip_gen: v7x
topology: tpu7x:2x2x1
jax: 0.10.2.dev20260603
libtpu: 0.0.44.dev20260713+nightly
codegen_flags: <defaults>
</compile_context>

<pallas_src>
import functools

import jax
import jax.numpy as jnp
from jax import lax
from jax.experimental import pallas as pl
from jax.experimental.pallas import tpu as pltpu
from jax.experimental.pallas import tpu_sc as plsc

NUSER = 1000000
BATCH = 16384
D_MODEL = 64

_info = plsc.get_sparse_core_info()
_NC, _NS, _L = _info.num_cores, _info.num_subcores, _info.num_lanes
_NW = _NC * _NS
_B_PER_W = BATCH // _NW

_mesh = plsc.VectorSubcoreMesh(core_axis_name="c", subcore_axis_name="s")


@functools.partial(
    pl.kernel,
    mesh=_mesh,
    out_type=jax.ShapeDtypeStruct((BATCH, D_MODEL), jnp.float32),
    scratch_types=[
        pltpu.VMEM((_B_PER_W,), jnp.int32),
        pltpu.SemaphoreType.DMA,
    ],
)
def _embedding_gather(idx_hbm, table_hbm, out_hbm, idx_v, sem):
    wid = lax.axis_index("s") * _NC + lax.axis_index("c")
    base = wid * _B_PER_W
    pltpu.sync_copy(idx_hbm.at[pl.ds(base, _B_PER_W)], idx_v)

    def blk_body(blk, carry):
        iv = idx_v[pl.ds(blk * _L, _L)]
        for l in range(_L):
            i = blk * _L + l
            pltpu.make_async_copy(
                table_hbm.at[pl.ds(iv[l], 1)],
                out_hbm.at[pl.ds(base + i, 1)],
                sem,
            ).start()
        return carry

    lax.fori_loop(0, _B_PER_W // _L, blk_body, 0)

    def drain_body(blk, carry):
        for _ in range(_L):
            pltpu.make_async_copy(
                table_hbm.at[pl.ds(0, 1)],
                out_hbm.at[pl.ds(base, 1)],
                sem,
            ).wait()
        return carry

    lax.fori_loop(0, _B_PER_W // _L, drain_body, 0)


def kernel(user_id, table):
    return _embedding_gather(user_id, table)

# --- scband reference (transcript-rebuilt; emitter-appended) ---
"""Pipeline reference for scband-user-embedding-22720376995921 (READ-ONLY COPY).

The authoritative reference and input builder live on the scoring server;
editing this copy changes nothing except your own understanding.
"""

import jax, jax.numpy as jnp
import numpy as np

NUSER = 1000000
D_MODEL = 64
BATCH = 16384

def setup_inputs(seed: int = 0) -> dict:
    key = jax.random.key(seed)
    k_idx, k_tab = jax.random.split(key)
    user_id = jax.random.randint(k_idx, (BATCH,), 0, NUSER, dtype=jnp.int64 if jax.config.jax_enable_x64 else jnp.int32).astype(jnp.int32)
    table = jax.random.normal(k_tab, (NUSER, D_MODEL), dtype=jnp.float32) * 0.02
    # padding_idx=0 row is zeroed, matching nn.Embedding(padding_idx=0) init
    table = table.at[0].set(0.0)
    return {"user_id": user_id, "table": table}

def reference(user_id, table):
    # nn.Embedding lookup: gather rows of the table by user_id.
    user_embedding = jnp.take(table, user_id, axis=0)
    # Dropout is identity in eval/inference mode.
    return user_embedding

if __name__ == "__main__":
    import jax
    _d = setup_inputs()
    print(jax.jit(kernel)(*tuple(_d.values())))

</pallas_src>

<mosaic_0001>
#map = affine_map<(d0, d1) -> (0)>
#map1 = affine_map<(d0, d1) -> (0, 0)>
module attributes {stable_mosaic.version = 14 : i64} {
  func.func @_embedding_gather(%arg0: i32, %arg1: i32, %arg2: memref<16384xi32, #tpu.memory_space<hbm>>, %arg3: memref<1000000x64xf32, #tpu.memory_space<hbm>>, %arg4: memref<16384x64xf32, #tpu.memory_space<hbm>>, %arg5: memref<512xi32, #tpu.memory_space<vmem>>, %arg6: memref<!tpu.dma_semaphore, #tpu.memory_space<semaphore_mem>>) attributes {dimension_semantics = [#tpu.dimension_semantics<core_parallel>, #tpu.dimension_semantics<subcore_parallel>], iteration_bounds = array<i64: 2, 16>, scalar_prefetch = 0 : i64, scratch_operands = 2 : i64, tpu.core_type = #tpu.core_type<sc_vector_subcore>, window_params = [{transform_indices = #map}, {transform_indices = #map1}, {transform_indices = #map1}]} {
    %mul3A = arith.constant 2 : i32
    %mul3A_0 = arith.muli %arg1, %mul3A : i32
    %add3A = arith.addi %mul3A_0, %arg0 : i32
    %mul3A_1 = arith.constant 512 : i32
    %mul3A_2 = arith.muli %add3A, %mul3A_1 : i32
    "tpu.region"() ({
      %run_scoped3A = tpu.sem_alloc : memref<!tpu.dma_semaphore, #tpu.memory_space<semaphore_mem>>
      %dma_start3A = tpu.memref_slice %arg2[%mul3A_2] : memref<16384xi32, #tpu.memory_space<hbm>> -> memref<512xi32, #tpu.memory_space<hbm>>
      %dma_start3A_14 = tpu.memref_slice %arg2[%mul3A_2] : memref<16384xi32, #tpu.memory_space<hbm>> -> memref<512xi32, #tpu.memory_space<hbm>>
      tpu.enqueue_dma source(%dma_start3A_14 : memref<512xi32, #tpu.memory_space<hbm>>) target(%arg5 : memref<512xi32, #tpu.memory_space<vmem>>) target_semaphore(%run_scoped3A : memref<!tpu.dma_semaphore, #tpu.memory_space<semaphore_mem>>)
      %dma_wait3A = tpu.memref_slice %arg2[%mul3A_2] : memref<16384xi32, #tpu.memory_space<hbm>> -> memref<512xi32, #tpu.memory_space<hbm>>
      %dma_wait3A_15 = tpu.memref_slice %arg2[%mul3A_2] : memref<16384xi32, #tpu.memory_space<hbm>> -> memref<512xi32, #tpu.memory_space<hbm>>
      tpu.wait_dma2 semaphore(%run_scoped3A : memref<!tpu.dma_semaphore, #tpu.memory_space<semaphore_mem>>) src(%dma_wait3A_15 : memref<512xi32, #tpu.memory_space<hbm>>) dst(%arg5 : memref<512xi32, #tpu.memory_space<vmem>>)
      tpu.yield
    }) : () -> ()
    %scan3A = arith.constant 0 : i32
    %scan3A_3 = arith.constant 0 : i32
    %scan3A_4 = arith.constant 32 : i32
    %scan3A_5 = arith.addi %scan3A_3, %scan3A_4 : i32
    %scan3A_6 = arith.constant 1 : i32
    scf.for %scan3A_14 = %scan3A_3 to %scan3A_5 step %scan3A_6  : i32 {
      %mul3A_15 = arith.constant 16 : i32
      %mul3A_16 = arith.muli %scan3A_14, %mul3A_15 : i32
      %get3A = arith.index_cast %mul3A_16 : i32 to index
      %get3A_17 = tpu.vector_load %arg5[%get3A] {strides = array<i32>} : memref<512xi32, #tpu.memory_space<vmem>>, vector<16xi32>,
      %get3A_18 = vector.shape_cast %get3A_17 : vector<16xi32> to vector<16xi32>
      %mul3A_19 = arith.constant 16 : i32
      %mul3A_20 = arith.muli %scan3A_14, %mul3A_19 : i32
      %add3A_21 = arith.constant 0 : i32
      %add3A_22 = arith.addi %mul3A_20, %add3A_21 : i32
      %slice3A = vector.extract_strided_slice %get3A_18 {offsets = [0], sizes = [1], strides = [1]} : vector<16xi32> to vector<1xi32>
      %squeeze3A = vector.extract %slice3A[0] : i32 from vector<1xi32>
      %add3A_23 = arith.addi %mul3A_2, %add3A_22 : i32
      %dma_start3A = arith.constant 0 : i32
      %dma_start3A_24 = tpu.memref_slice %arg4[%add3A_23, %dma_start3A] : memref<16384x64xf32, #tpu.memory_space<hbm>> -> memref<1x64xf32, #tpu.memory_space<hbm>>
      %dma_start3A_25 = arith.constant 0 : i32
      %dma_start3A_26 = tpu.memref_slice %arg3[%squeeze3A, %dma_start3A_25] : memref<1000000x64xf32, #tpu.memory_space<hbm>> -> memref<1x64xf32, #tpu.memory_space<hbm>>
      tpu.enqueue_dma source(%dma_start3A_26 : memref<1x64xf32, #tpu.memory_space<hbm>>) target(%dma_start3A_24 : memref<1x64xf32, #tpu.memory_space<hbm>>) target_semaphore(%arg6 : memref<!tpu.dma_semaphore, #tpu.memory_space<semaphore_mem>>)
      %mul3A_27 = arith.constant 16 : i32
      %mul3A_28 = arith.muli %scan3A_14, %mul3A_27 : i32
      %add3A_29 = arith.constant 1 : i32
      %add3A_30 = arith.addi %mul3A_28, %add3A_29 : i32
      %slice3A_31 = vector.extract_strided_slice %get3A_18 {offsets = [1], sizes = [1], strides = [1]} : vector<16xi32> to vector<1xi32>
      %squeeze3A_32 = vector.extract %slice3A_31[0] : i32 from vector<1xi32>
      %add3A_33 = arith.addi %mul3A_2, %add3A_30 : i32
      %dma_start3A_34 = arith.constant 0 : i32
      %dma_start3A_35 = tpu.memref_slice %arg4[%add3A_33, %dma_start3A_34] : memref<16384x64xf32, #tpu.memory_space<hbm>> -> memref<1x64xf32, #tpu.memory_space<hbm>>
      %dma_start3A_36 = arith.constant 0 : i32
      %dma_start3A_37 = tpu.memref_slice %arg3[%squeeze3A_32, %dma_start3A_36] : memref<1000000x64xf32, #tpu.memory_space<hbm>> -> memref<1x64xf32, #tpu.memory_space<hbm>>
      tpu.enqueue_dma source(%dma_start3A_37 : memref<1x64xf32, #tpu.memory_space<hbm>>) target(%dma_start3A_35 : memref<1x64xf32, #tpu.memory_space<hbm>>) target_semaphore(%arg6 : memref<!tpu.dma_semaphore, #tpu.memory_space<semaphore_mem>>)
      %mul3A_38 = arith.constant 16 : i32
      %mul3A_39 = arith.muli %scan3A_14, %mul3A_38 : i32
      %add3A_40 = arith.constant 2 : i32
      %add3A_41 = arith.addi %mul3A_39, %add3A_40 : i32
      %slice3A_42 = vector.extract_strided_slice %get3A_18 {offsets = [2], sizes = [1], strides = [1]} : vector<16xi32> to vector<1xi32>
      %squeeze3A_43 = vector.extract %slice3A_42[0] : i32 from vector<1xi32>
      %add3A_44 = arith.addi %mul3A_2, %add3A_41 : i32
      %dma_start3A_45 = arith.constant 0 : i32
      %dma_start3A_46 = tpu.memref_slice %arg4[%add3A_44, %dma_start3A_45] : memref<16384x64xf32, #tpu.memory_space<hbm>> -> memref<1x64xf32, #tpu.memory_space<hbm>>
      %dma_start3A_47 = arith.constant 0 : i32
      %dma_start3A_48 = tpu.memref_slice %arg3[%squeeze3A_43, %dma_start3A_47] : memref<1000000x64xf32, #tpu.memory_space<hbm>> -> memref<1x64xf32, #tpu.memory_space<hbm>>
      tpu.enqueue_dma source(%dma_start3A_48 : memref<1x64xf32, #tpu.memory_space<hbm>>) target(%dma_start3A_46 : memref<1x64xf32, #tpu.memory_space<hbm>>) target_semaphore(%arg6 : memref<!tpu.dma_semaphore, #tpu.memory_space<semaphore_mem>>)
      %mul3A_49 = arith.constant 16 : i32
      %mul3A_50 = arith.muli %scan3A_14, %mul3A_49 : i32
      %add3A_51 = arith.constant 3 : i32
      %add3A_52 = arith.addi %mul3A_50, %add3A_51 : i32
      %slice3A_53 = vector.extract_strided_slice %get3A_18 {offsets = [3], sizes = [1], strides = [1]} : vector<16xi32> to vector<1xi32>
      %squeeze3A_54 = vector.extract %slice3A_53[0] : i32 from vector<1xi32>
      %add3A_55 = arith.addi %mul3A_2, %add3A_52 : i32
      %dma_start3A_56 = arith.constant 0 : i32
      %dma_start3A_57 = tpu.memref_slice %arg4[%add3A_55, %dma_start3A_56] : memref<16384x64xf32, #tpu.memory_space<hbm>> -> memref<1x64xf32, #tpu.memory_space<hbm>>
      %dma_start3A_58 = arith.constant 0 : i32
      %dma_start3A_59 = tpu.memref_slice %arg3[%squeeze3A_54, %dma_start3A_58] : memref<1000000x64xf32, #tpu.memory_space<hbm>> -> memref<1x64xf32, #tpu.memory_space<hbm>>
      tpu.enqueue_dma source(%dma_start3A_59 : memref<1x64xf32, #tpu.memory_space<hbm>>) target(%dma_start3A_57 : memref<1x64xf32, #tpu.memory_space<hbm>>) target_semaphore(%arg6 : memref<!tpu.dma_semaphore, #tpu.memory_space<semaphore_mem>>)
      %mul3A_60 = arith.constant 16 : i32
      %mul3A_61 = arith.muli %scan3A_14, %mul3A_60 : i32
      %add3A_62 = arith.constant 4 : i32
      %add3A_63 = arith.addi %mul3A_61, %add3A_62 : i32
      %slice3A_64 = vector.extract_strided_slice %get3A_18 {offsets = [4], sizes = [1], strides = [1]} : vector<16xi32> to vector<1xi32>
      %squeeze3A_65 = vector.extract %slice3A_64[0] : i32 from vector<1xi32>
      %add3A_66 = arith.addi %mul3A_2, %add3A_63 : i32
      %dma_start3A_67 = arith.constant 0 : i32
      %dma_start3A_68 = tpu.memref_slice %arg4[%add3A_66, %dma_start3A_67] : memref<16384x64xf32, #tpu.memory_space<hbm>> -> memref<1x64xf32, #tpu.memory_space<hbm>>
      %dma_start3A_69 = arith.constant 0 : i32
      %dma_start3A_70 = tpu.memref_slice %arg3[%squeeze3A_65, %dma_start3A_69] : memref<1000000x64xf32, #tpu.memory_space<hbm>> -> memref<1x64xf32, #tpu.memory_space<hbm>>
      tpu.enqueue_dma source(%dma_start3A_70 : memref<1x64xf32, #tpu.memory_space<hbm>>) target(%dma_start3A_68 : memref<1x64xf32, #tpu.memory_space<hbm>>) target_semaphore(%arg6 : memref<!tpu.dma_semaphore, #tpu.memory_space<semaphore_mem>>)
      %mul3A_71 = arith.constant 16 : i32
      %mul3A_72 = arith.muli %scan3A_14, %mul3A_71 : i32
      %add3A_73 = arith.constant 5 : i32
      %add3A_74 = arith.addi %mul3A_72, %add3A_73 : i32
      %slice3A_75 = vector.extract_strided_slice %get3A_18 {offsets = [5], sizes = [1], strides = [1]} : vector<16xi32> to vector<1xi32>
      %squeeze3A_76 = vector.extract %slice3A_75[0] : i32 from vector<1xi32>
      %add3A_77 = arith.addi %mul3A_2, %add3A_74 : i32
      %dma_start3A_78 = arith.constant 0 : i32
      %dma_start3A_79 = tpu.memref_slice %arg4[%add3A_77, %dma_start3A_78] : memref<16384x64xf32, #tpu.memory_space<hbm>> -> memref<1x64xf32, #tpu.memory_space<hbm>>
      %dma_start3A_80 = arith.constant 0 : i32
      %dma_start3A_81 = tpu.memref_slice %arg3[%squeeze3A_76, %dma_start3A_80] : memref<1000000x64xf32, #tpu.memory_space<hbm>> -> memref<1x64xf32, #tpu.memory_space<hbm>>
      tpu.enqueue_dma source(%dma_start3A_81 : memref<1x64xf32, #tpu.memory_space<hbm>>) target(%dma_start3A_79 : memref<1x64xf32, #tpu.memory_space<hbm>>) target_semaphore(%arg6 : memref<!tpu.dma_semaphore, #tpu.memory_space<semaphore_mem>>)
      %mul3A_82 = arith.constant 16 : i32
      %mul3A_83 = arith.muli %scan3A_14, %mul3A_82 : i32
      %add3A_84 = arith.constant 6 : i32
      %add3A_85 = arith.addi %mul3A_83, %add3A_84 : i32
      %slice3A_86 = vector.extract_strided_slice %get3A_18 {offsets = [6], sizes = [1], strides = [1]} : vector<16xi32> to vector<1xi32>
      %squeeze3A_87 = vector.extract %slice3A_86[0] : i32 from vector<1xi32>
      %add3A_88 = arith.addi %mul3A_2, %add3A_85 : i32
      %dma_start3A_89 = arith.constant 0 : i32
      %dma_start3A_90 = tpu.memref_slice %arg4[%add3A_88, %dma_start3A_89] : memref<16384x64xf32, #tpu.memory_space<hbm>> -> memref<1x64xf32, #tpu.memory_space<hbm>>
      %dma_start3A_91 = arith.constant 0 : i32
      %dma_start3A_92 = tpu.memref_slice %arg3[%squeeze3A_87, %dma_start3A_91] : memref<1000000x64xf32, #tpu.memory_space<hbm>> -> memref<1x64xf32, #tpu.memory_space<hbm>>
      tpu.enqueue_dma source(%dma_start3A_92 : memref<1x64xf32, #tpu.memory_space<hbm>>) target(%dma_start3A_90 : memref<1x64xf32, #tpu.memory_space<hbm>>) target_semaphore(%arg6 : memref<!tpu.dma_semaphore, #tpu.memory_space<semaphore_mem>>)
      %mul3A_93 = arith.constant 16 : i32
      %mul3A_94 = arith.muli %scan3A_14, %mul3A_93 : i32
      %add3A_95 = arith.constant 7 : i32
      %add3A_96 = arith.addi %mul3A_94, %add3A_95 : i32
      %slice3A_97 = vector.extract_strided_slice %get3A_18 {offsets = [7], sizes = [1], strides = [1]} : vector<16xi32> to vector<1xi32>
      %squeeze3A_98 = vector.extract %slice3A_97[0] : i32 from vector<1xi32>
      %add3A_99 = arith.addi %mul3A_2, %add3A_96 : i32
      %dma_start3A_100 = arith.constant 0 : i32
      %dma_start3A_101 = tpu.memref_slice %arg4[%add3A_99, %dma_start3A_100] : memref<16384x64xf32, #tpu.memory_space<hbm>> -> memref<1x64xf32, #tpu.memory_space<hbm>>
      %dma_start3A_102 = arith.constant 0 : i32
      %dma_start3A_103 = tpu.memref_slice %arg3[%squeeze3A_98, %dma_start3A_102] : memref<1000000x64xf32, #tpu.memory_space<hbm>> -> memref<1x64xf32, #tpu.memory_space<hbm>>
      tpu.enqueue_dma source(%dma_start3A_103 : memref<1x64xf32, #tpu.memory_space<hbm>>) target(%dma_start3A_101 : memref<1x64xf32, #tpu.memory_space<hbm>>) target_semaphore(%arg6 : memref<!tpu.dma_semaphore, #tpu.memory_space<semaphore_mem>>)
      %mul3A_104 = arith.constant 16 : i32
      %mul3A_105 = arith.muli %scan3A_14, %mul3A_104 : i32
      %add3A_106 = arith.constant 8 : i32
      %add3A_107 = arith.addi %mul3A_105, %add3A_106 : i32
      %slice3A_108 = vector.extract_strided_slice %get3A_18 {offsets = [8], sizes = [1], strides = [1]} : vector<16xi32> to vector<1xi32>
      %squeeze3A_109 = vector.extract %slice3A_108[0] : i32 from vector<1xi32>
      %add3A_110 = arith.addi %mul3A_2, %add3A_107 : i32
      %dma_start3A_111 = arith.constant 0 : i32
      %dma_start3A_112 = tpu.memref_slice %arg4[%add3A_110, %dma_start3A_111] : memref<16384x64xf32, #tpu.memory_space<hbm>> -> memref<1x64xf32, #tpu.memory_space<hbm>>
      %dma_start3A_113 = arith.constant 0 : i32
      %dma_start3A_114 = tpu.memref_slice %arg3[%squeeze3A_109, %dma_start3A_113] : memref<1000000x64xf32, #tpu.memory_space<hbm>> -> memref<1x64xf32, #tpu.memory_space<hbm>>
      tpu.enqueue_dma source(%dma_start3A_114 : memref<1x64xf32, #tpu.memory_space<hbm>>) target(%dma_start3A_112 : memref<1x64xf32, #tpu.memory_space<hbm>>) target_semaphore(%arg6 : memref<!tpu.dma_semaphore, #tpu.memory_space<semaphore_mem>>)
      %mul3A_115 = arith.constant 16 : i32
      %mul3A_116 = arith.muli %scan3A_14, %mul3A_115 : i32
      %add3A_117 = arith.constant 9 : i32
      %add3A_118 = arith.addi %mul3A_116, %add3A_117 : i32
      %slice3A_119 = vector.extract_strided_slice %get3A_18 {offsets = [9], sizes = [1], strides = [1]} : vector<16xi32> to vector<1xi32>
      %squeeze3A_120 = vector.extract %slice3A_119[0] : i32 from vector<1xi32>
      %add3A_121 = arith.addi %mul3A_2, %add3A_118 : i32
      %dma_start3A_122 = arith.constant 0 : i32
      %dma_start3A_123 = tpu.memref_slice %arg4[%add3A_121, %dma_start3A_122] : memref<16384x64xf32, #tpu.memory_space<hbm>> -> memref<1x64xf32, #tpu.memory_space<hbm>>
      %dma_start3A_124 = arith.constant 0 : i32
      %dma_start3A_125 = tpu.memref_slice %arg3[%squeeze3A_120, %dma_start3A_124] : memref<1000000x64xf32, #tpu.memory_space<hbm>> -> memref<1x64xf32, #tpu.memory_space<hbm>>
      tpu.enqueue_dma source(%dma_start3A_125 : memref<1x64xf32, #tpu.memory_space<hbm>>) target(%dma_start3A_123 : memref<1x64xf32, #tpu.memory_space<hbm>>) target_semaphore(%arg6 : memref<!tpu.dma_semaphore, #tpu.memory_space<semaphore_mem>>)
      %mul3A_126 = arith.constant 16 : i32
      %mul3A_127 = arith.muli %scan3A_14, %mul3A_126 : i32
      %add3A_128 = arith.constant 10 : i32
      %add3A_129 = arith.addi %mul3A_127, %add3A_128 : i32
      %slice3A_130 = vector.extract_strided_slice %get3A_18 {offsets = [10], sizes = [1], strides = [1]} : vector<16xi32> to vector<1xi32>
      %squeeze3A_131 = vector.extract %slice3A_130[0] : i32 from vector<1xi32>
      %add3A_132 = arith.addi %mul3A_2, %add3A_129 : i32
      %dma_start3A_133 = arith.constant 0 : i32
      %dma_start3A_134 = tpu.memref_slice %arg4[%add3A_132, %dma_start3A_133] : memref<16384x64xf32, #tpu.memory_space<hbm>> -> memref<1x64xf32, #tpu.memory_space<hbm>>
      %dma_start3A_135 = arith.constant 0 : i32
      %dma_start3A_136 = tpu.memref_slice %arg3[%squeeze3A_131, %dma_start3A_135] : memref<1000000x64xf32, #tpu.memory_space<hbm>> -> memref<1x64xf32, #tpu.memory_space<hbm>>
      tpu.enqueue_dma source(%dma_start3A_136 : memref<1x64xf32, #tpu.memory_space<hbm>>) target(%dma_start3A_134 : memref<1x64xf32, #tpu.memory_space<hbm>>) target_semaphore(%arg6 : memref<!tpu.dma_semaphore, #tpu.memory_space<semaphore_mem>>)
      %mul3A_137 = arith.constant 16 : i32
      %mul3A_138 = arith.muli %scan3A_14, %mul3A_137 : i32
      %add3A_139 = arith.constant 11 : i32
      %add3A_140 = arith.addi %mul3A_138, %add3A_139 : i32
      %slice3A_141 = vector.extract_strided_slice %get3A_18 {offsets = [11], sizes = [1], strides = [1]} : vector<16xi32> to vector<1xi32>
      %squeeze3A_142 = vector.extract %slice3A_141[0] : i32 from vector<1xi32>
      %add3A_143 = arith.addi %mul3A_2, %add3A_140 : i32
      %dma_start3A_144 = arith.constant 0 : i32
      %dma_start3A_145 = tpu.memref_slice %arg4[%add3A_143, %dma_start3A_144] : memref<16384x64xf32, #tpu.memory_space<hbm>> -> memref<1x64xf32, #tpu.memory_space<hbm>>
      %dma_start3A_146 = arith.constant 0 : i32
      %dma_start3A_147 = tpu.memref_slice %arg3[%squeeze3A_142, %dma_start3A_146] : memref<1000000x64xf32, #tpu.memory_space<hbm>> -> memref<1x64xf32, #tpu.memory_space<hbm>>
      tpu.enqueue_dma source(%dma_start3A_147 : memref<1x64xf32, #tpu.memory_space<hbm>>) target(%dma_start3A_145 : memref<1x64xf32, #tpu.memory_space<hbm>>) target_semaphore(%arg6 : memref<!tpu.dma_semaphore, #tpu.memory_space<semaphore_mem>>)
      %mul3A_148 = arith.constant 16 : i32
      %mul3A_149 = arith.muli %scan3A_14, %mul3A_148 : i32
      %add3A_150 = arith.constant 12 : i32
      %add3A_151 = arith.addi %mul3A_149, %add3A_150 : i32
      %slice3A_152 = vector.extract_strided_slice %get3A_18 {offsets = [12], sizes = [1], strides = [1]} : vector<16xi32> to vector<1xi32>
      %squeeze3A_153 = vector.extract %slice3A_152[0] : i32 from vector<1xi32>
      %add3A_154 = arith.addi %mul3A_2, %add3A_151 : i32
      %dma_start3A_155 = arith.constant 0 : i32
      %dma_start3A_156 = tpu.memref_slice %arg4[%add3A_154, %dma_start3A_155] : memref<16384x64xf32, #tpu.memory_space<hbm>> -> memref<1x64xf32, #tpu.memory_space<hbm>>
      %dma_start3A_157 = arith.constant 0 : i32
      %dma_start3A_158 = tpu.memref_slice %arg3[%squeeze3A_153, %dma_start3A_157] : memref<1000000x64xf32, #tpu.memory_space<hbm>> -> memref<1x64xf32, #tpu.memory_space<hbm>>
      tpu.enqueue_dma source(%dma_start3A_158 : memref<1x64xf32, #tpu.memory_space<hbm>>) target(%dma_start3A_156 : memref<1x64xf32, #tpu.memory_space<hbm>>) target_semaphore(%arg6 : memref<!tpu.dma_semaphore, #tpu.memory_space<semaphore_mem>>)
      %mul3A_159 = arith.constant 16 : i32
      %mul3A_160 = arith.muli %scan3A_14, %mul3A_159 : i32
      %add3A_161 = arith.constant 13 : i32
      %add3A_162 = arith.addi %mul3A_160, %add3A_161 : i32
      %slice3A_163 = vector.extract_strided_slice %get3A_18 {offsets = [13], sizes = [1], strides = [1]} : vector<16xi32> to vector<1xi32>
      %squeeze3A_164 = vector.extract %slice3A_163[0] : i32 from vector<1xi32>
      %add3A_165 = arith.addi %mul3A_2, %add3A_162 : i32
      %dma_start3A_166 = arith.constant 0 : i32
      %dma_start3A_167 = tpu.memref_slice %arg4[%add3A_165, %dma_start3A_166] : memref<16384x64xf32, #tpu.memory_space<hbm>> -> memref<1x64xf32, #tpu.memory_space<hbm>>
      %dma_start3A_168 = arith.constant 0 : i32
      %dma_start3A_169 = tpu.memref_slice %arg3[%squeeze3A_164, %dma_start3A_168] : memref<1000000x64xf32, #tpu.memory_space<hbm>> -> memref<1x64xf32, #tpu.memory_space<hbm>>
      tpu.enqueue_dma source(%dma_start3A_169 : memref<1x64xf32, #tpu.memory_space<hbm>>) target(%dma_start3A_167 : memref<1x64xf32, #tpu.memory_space<hbm>>) target_semaphore(%arg6 : memref<!tpu.dma_semaphore, #tpu.memory_space<semaphore_mem>>)
      %mul3A_170 = arith.constant 16 : i32
      %mul3A_171 = arith.muli %scan3A_14, %mul3A_170 : i32
      %add3A_172 = arith.constant 14 : i32
      %add3A_173 = arith.addi %mul3A_171, %add3A_172 : i32
      %slice3A_174 = vector.extract_strided_slice %get3A_18 {offsets = [14], sizes = [1], strides = [1]} : vector<16xi32> to vector<1xi32>
      %squeeze3A_175 = vector.extract %slice3A_174[0] : i32 from vector<1xi32>
      %add3A_176 = arith.addi %mul3A_2, %add3A_173 : i32
      %dma_start3A_177 = arith.constant 0 : i32
      %dma_start3A_178 = tpu.memref_slice %arg4[%add3A_176, %dma_start3A_177] : memref<16384x64xf32, #tpu.memory_space<hbm>> -> memref<1x64xf32, #tpu.memory_space<hbm>>
      %dma_start3A_179 = arith.constant 0 : i32
      %dma_start3A_180 = tpu.memref_slice %arg3[%squeeze3A_175, %dma_start3A_179] : memref<1000000x64xf32, #tpu.memory_space<hbm>> -> memref<1x64xf32, #tpu.memory_space<hbm>>
      tpu.enqueue_dma source(%dma_start3A_180 : memref<1x64xf32, #tpu.memory_space<hbm>>) target(%dma_start3A_178 : memref<1x64xf32, #tpu.memory_space<hbm>>) target_semaphore(%arg6 : memref<!tpu.dma_semaphore, #tpu.memory_space<semaphore_mem>>)
      %mul3A_181 = arith.constant 16 : i32
      %mul3A_182 = arith.muli %scan3A_14, %mul3A_181 : i32
      %add3A_183 = arith.constant 15 : i32
      %add3A_184 = arith.addi %mul3A_182, %add3A_183 : i32
      %slice3A_185 = vector.extract_strided_slice %get3A_18 {offsets = [15], sizes = [1], strides = [1]} : vector<16xi32> to vector<1xi32>
      %squeeze3A_186 = vector.extract %slice3A_185[0] : i32 from vector<1xi32>
      %add3A_187 = arith.addi %mul3A_2, %add3A_184 : i32
      %dma_start3A_188 = arith.constant 0 : i32
      %dma_start3A_189 = tpu.memref_slice %arg4[%add3A_187, %dma_start3A_188] : memref<16384x64xf32, #tpu.memory_space<hbm>> -> memref<1x64xf32, #tpu.memory_space<hbm>>
      %dma_start3A_190 = arith.constant 0 : i32
      %dma_start3A_191 = tpu.memref_slice %arg3[%squeeze3A_186, %dma_start3A_190] : memref<1000000x64xf32, #tpu.memory_space<hbm>> -> memref<1x64xf32, #tpu.memory_space<hbm>>
      tpu.enqueue_dma source(%dma_start3A_191 : memref<1x64xf32, #tpu.memory_space<hbm>>) target(%dma_start3A_189 : memref<1x64xf32, #tpu.memory_space<hbm>>) target_semaphore(%arg6 : memref<!tpu.dma_semaphore, #tpu.memory_space<semaphore_mem>>)
    }
    %scan3A_7 = arith.constant 32 : i32
    %scan3A_8 = arith.constant 0 : i32
    %scan3A_9 = arith.constant 0 : i32
    %scan3A_10 = arith.constant 32 : i32
    %scan3A_11 = arith.addi %scan3A_9, %scan3A_10 : i32
    %scan3A_12 = arith.constant 1 : i32
    scf.for %scan3A_14 = %scan3A_9 to %scan3A_11 step %scan3A_12  : i32 {
      %dma_wait3A = arith.constant 0 : i32
      %dma_wait3A_15 = tpu.memref_slice %arg4[%mul3A_2, %dma_wait3A] : memref<16384x64xf32, #tpu.memory_space<hbm>> -> memref<1x64xf32, #tpu.memory_space<hbm>>
      %dma_wait3A_16 = arith.constant 0 : i32
      %dma_wait3A_17 = arith.constant 0 : i32
      %dma_wait3A_18 = tpu.memref_slice %arg3[%dma_wait3A_16, %dma_wait3A_17] : memref<1000000x64xf32, #tpu.memory_space<hbm>> -> memref<1x64xf32, #tpu.memory_space<hbm>>
      tpu.wait_dma2 semaphore(%arg6 : memref<!tpu.dma_semaphore, #tpu.memory_space<semaphore_mem>>) src(%dma_wait3A_18 : memref<1x64xf32, #tpu.memory_space<hbm>>) dst(%dma_wait3A_15 : memref<1x64xf32, #tpu.memory_space<hbm>>)
      %dma_wait3A_19 = arith.constant 0 : i32
      %dma_wait3A_20 = tpu.memref_slice %arg4[%mul3A_2, %dma_wait3A_19] : memref<16384x64xf32, #tpu.memory_space<hbm>> -> memref<1x64xf32, #tpu.memory_space<hbm>>
      %dma_wait3A_21 = arith.constant 0 : i32
      %dma_wait3A_22 = arith.constant 0 : i32
      %dma_wait3A_23 = tpu.memref_slice %arg3[%dma_wait3A_21, %dma_wait3A_22] : memref<1000000x64xf32, #tpu.memory_space<hbm>> -> memref<1x64xf32, #tpu.memory_space<hbm>>
      tpu.wait_dma2 semaphore(%arg6 : memref<!tpu.dma_semaphore, #tpu.memory_space<semaphore_mem>>) src(%dma_wait3A_23 : memref<1x64xf32, #tpu.memory_space<hbm>>) dst(%dma_wait3A_20 : memref<1x64xf32, #tpu.memory_space<hbm>>)
      %dma_wait3A_24 = arith.constant 0 : i32
      %dma_wait3A_25 = tpu.memref_slice %arg4[%mul3A_2, %dma_wait3A_24] : memref<16384x64xf32, #tpu.memory_space<hbm>> -> memref<1x64xf32, #tpu.memory_space<hbm>>
      %dma_wait3A_26 = arith.constant 0 : i32
      %dma_wait3A_27 = arith.constant 0 : i32
      %dma_wait3A_28 = tpu.memref_slice %arg3[%dma_wait3A_26, %dma_wait3A_27] : memref<1000000x64xf32, #tpu.memory_space<hbm>> -> memref<1x64xf32, #tpu.memory_space<hbm>>
      tpu.wait_dma2 semaphore(%arg6 : memref<!tpu.dma_semaphore, #tpu.memory_space<semaphore_mem>>) src(%dma_wait3A_28 : memref<1x64xf32, #tpu.memory_space<hbm>>) dst(%dma_wait3A_25 : memref<1x64xf32, #tpu.memory_space<hbm>>)
      %dma_wait3A_29 = arith.constant 0 : i32
      %dma_wait3A_30 = tpu.memref_slice %arg4[%mul3A_2, %dma_wait3A_29] : memref<16384x64xf32, #tpu.memory_space<hbm>> -> memref<1x64xf32, #tpu.memory_space<hbm>>
      %dma_wait3A_31 = arith.constant 0 : i32
      %dma_wait3A_32 = arith.constant 0 : i32
      %dma_wait3A_33 = tpu.memref_slice %arg3[%dma_wait3A_31, %dma_wait3A_32] : memref<1000000x64xf32, #tpu.memory_space<hbm>> -> memref<1x64xf32, #tpu.memory_space<hbm>>
      tpu.wait_dma2 semaphore(%arg6 : memref<!tpu.dma_semaphore, #tpu.memory_space<semaphore_mem>>) src(%dma_wait3A_33 : memref<1x64xf32, #tpu.memory_space<hbm>>) dst(%dma_wait3A_30 : memref<1x64xf32, #tpu.memory_space<hbm>>)
      %dma_wait3A_34 = arith.constant 0 : i32
      %dma_wait3A_35 = tpu.memref_slice %arg4[%mul3A_2, %dma_wait3A_34] : memref<16384x64xf32, #tpu.memory_space<hbm>> -> memref<1x64xf32, #tpu.memory_space<hbm>>
      %dma_wait3A_36 = arith.constant 0 : i32
      %dma_wait3A_37 = arith.constant 0 : i32
      %dma_wait3A_38 = tpu.memref_slice %arg3[%dma_wait3A_36, %dma_wait3A_37] : memref<1000000x64xf32, #tpu.memory_space<hbm>> -> memref<1x64xf32, #tpu.memory_space<hbm>>
      tpu.wait_dma2 semaphore(%arg6 : memref<!tpu.dma_semaphore, #tpu.memory_space<semaphore_mem>>) src(%dma_wait3A_38 : memref<1x64xf32, #tpu.memory_space<hbm>>) dst(%dma_wait3A_35 : memref<1x64xf32, #tpu.memory_space<hbm>>)
      %dma_wait3A_39 = arith.constant 0 : i32
      %dma_wait3A_40 = tpu.memref_slice %arg4[%mul3A_2, %dma_wait3A_39] : memref<16384x64xf32, #tpu.memory_space<hbm>> -> memref<1x64xf32, #tpu.memory_space<hbm>>
      %dma_wait3A_41 = arith.constant 0 : i32
      %dma_wait3A_42 = arith.constant 0 : i32
      %dma_wait3A_43 = tpu.memref_slice %arg3[%dma_wait3A_41, %dma_wait3A_42] : memref<1000000x64xf32, #tpu.memory_space<hbm>> -> memref<1x64xf32, #tpu.memory_space<hbm>>
      tpu.wait_dma2 semaphore(%arg6 : memref<!tpu.dma_semaphore, #tpu.memory_space<semaphore_mem>>) src(%dma_wait3A_43 : memref<1x64xf32, #tpu.memory_space<hbm>>) dst(%dma_wait3A_40 : memref<1x64xf32, #tpu.memory_space<hbm>>)
      %dma_wait3A_44 = arith.constant 0 : i32
      %dma_wait3A_45 = tpu.memref_slice %arg4[%mul3A_2, %dma_wait3A_44] : memref<16384x64xf32, #tpu.memory_space<hbm>> -> memref<1x64xf32, #tpu.memory_space<hbm>>
      %dma_wait3A_46 = arith.constant 0 : i32
      %dma_wait3A_47 = arith.constant 0 : i32
      %dma_wait3A_48 = tpu.memref_slice %arg3[%dma_wait3A_46, %dma_wait3A_47] : memref<1000000x64xf32, #tpu.memory_space<hbm>> -> memref<1x64xf32, #tpu.memory_space<hbm>>
      tpu.wait_dma2 semaphore(%arg6 : memref<!tpu.dma_semaphore, #tpu.memory_space<semaphore_mem>>) src(%dma_wait3A_48 : memref<1x64xf32, #tpu.memory_space<hbm>>) dst(%dma_wait3A_45 : memref<1x64xf32, #tpu.memory_space<hbm>>)
      %dma_wait3A_49 = arith.constant 0 : i32
      %dma_wait3A_50 = tpu.memref_slice %arg4[%mul3A_2, %dma_wait3A_49] : memref<16384x64xf32, #tpu.memory_space<hbm>> -> memref<1x64xf32, #tpu.memory_space<hbm>>
      %dma_wait3A_51 = arith.constant 0 : i32
      %dma_wait3A_52 = arith.constant 0 : i32
      %dma_wait3A_53 = tpu.memref_slice %arg3[%dma_wait3A_51, %dma_wait3A_52] : memref<1000000x64xf32, #tpu.memory_space<hbm>> -> memref<1x64xf32, #tpu.memory_space<hbm>>
      tpu.wait_dma2 semaphore(%arg6 : memref<!tpu.dma_semaphore, #tpu.memory_space<semaphore_mem>>) src(%dma_wait3A_53 : memref<1x64xf32, #tpu.memory_space<hbm>>) dst(%dma_wait3A_50 : memref<1x64xf32, #tpu.memory_space<hbm>>)
      %dma_wait3A_54 = arith.constant 0 : i32
      %dma_wait3A_55 = tpu.memref_slice %arg4[%mul3A_2, %dma_wait3A_54] : memref<16384x64xf32, #tpu.memory_space<hbm>> -> memref<1x64xf32, #tpu.memory_space<hbm>>
      %dma_wait3A_56 = arith.constant 0 : i32
      %dma_wait3A_57 = arith.constant 0 : i32
      %dma_wait3A_58 = tpu.memref_slice %arg3[%dma_wait3A_56, %dma_wait3A_57] : memref<1000000x64xf32, #tpu.memory_space<hbm>> -> memref<1x64xf32, #tpu.memory_space<hbm>>
      tpu.wait_dma2 semaphore(%arg6 : memref<!tpu.dma_semaphore, #tpu.memory_space<semaphore_mem>>) src(%dma_wait3A_58 : memref<1x64xf32, #tpu.memory_space<hbm>>) dst(%dma_wait3A_55 : memref<1x64xf32, #tpu.memory_space<hbm>>)
      %dma_wait3A_59 = arith.constant 0 : i32
      %dma_wait3A_60 = tpu.memref_slice %arg4[%mul3A_2, %dma_wait3A_59] : memref<16384x64xf32, #tpu.memory_space<hbm>> -> memref<1x64xf32, #tpu.memory_space<hbm>>
      %dma_wait3A_61 = arith.constant 0 : i32
      %dma_wait3A_62 = arith.constant 0 : i32
      %dma_wait3A_63 = tpu.memref_slice %arg3[%dma_wait3A_61, %dma_wait3A_62] : memref<1000000x64xf32, #tpu.memory_space<hbm>> -> memref<1x64xf32, #tpu.memory_space<hbm>>
      tpu.wait_dma2 semaphore(%arg6 : memref<!tpu.dma_semaphore, #tpu.memory_space<semaphore_mem>>) src(%dma_wait3A_63 : memref<1x64xf32, #tpu.memory_space<hbm>>) dst(%dma_wait3A_60 : memref<1x64xf32, #tpu.memory_space<hbm>>)
      %dma_wait3A_64 = arith.constant 0 : i32
      %dma_wait3A_65 = tpu.memref_slice %arg4[%mul3A_2, %dma_wait3A_64] : memref<16384x64xf32, #tpu.memory_space<hbm>> -> memref<1x64xf32, #tpu.memory_space<hbm>>
      %dma_wait3A_66 = arith.constant 0 : i32
      %dma_wait3A_67 = arith.constant 0 : i32
      %dma_wait3A_68 = tpu.memref_slice %arg3[%dma_wait3A_66, %dma_wait3A_67] : memref<1000000x64xf32, #tpu.memory_space<hbm>> -> memref<1x64xf32, #tpu.memory_space<hbm>>
      tpu.wait_dma2 semaphore(%arg6 : memref<!tpu.dma_semaphore, #tpu.memory_space<semaphore_mem>>) src(%dma_wait3A_68 : memref<1x64xf32, #tpu.memory_space<hbm>>) dst(%dma_wait3A_65 : memref<1x64xf32, #tpu.memory_space<hbm>>)
      %dma_wait3A_69 = arith.constant 0 : i32
      %dma_wait3A_70 = tpu.memref_slice %arg4[%mul3A_2, %dma_wait3A_69] : memref<16384x64xf32, #tpu.memory_space<hbm>> -> memref<1x64xf32, #tpu.memory_space<hbm>>
      %dma_wait3A_71 = arith.constant 0 : i32
      %dma_wait3A_72 = arith.constant 0 : i32
      %dma_wait3A_73 = tpu.memref_slice %arg3[%dma_wait3A_71, %dma_wait3A_72] : memref<1000000x64xf32, #tpu.memory_space<hbm>> -> memref<1x64xf32, #tpu.memory_space<hbm>>
      tpu.wait_dma2 semaphore(%arg6 : memref<!tpu.dma_semaphore, #tpu.memory_space<semaphore_mem>>) src(%dma_wait3A_73 : memref<1x64xf32, #tpu.memory_space<hbm>>) dst(%dma_wait3A_70 : memref<1x64xf32, #tpu.memory_space<hbm>>)
      %dma_wait3A_74 = arith.constant 0 : i32
      %dma_wait3A_75 = tpu.memref_slice %arg4[%mul3A_2, %dma_wait3A_74] : memref<16384x64xf32, #tpu.memory_space<hbm>> -> memref<1x64xf32, #tpu.memory_space<hbm>>
      %dma_wait3A_76 = arith.constant 0 : i32
      %dma_wait3A_77 = arith.constant 0 : i32
      %dma_wait3A_78 = tpu.memref_slice %arg3[%dma_wait3A_76, %dma_wait3A_77] : memref<1000000x64xf32, #tpu.memory_space<hbm>> -> memref<1x64xf32, #tpu.memory_space<hbm>>
      tpu.wait_dma2 semaphore(%arg6 : memref<!tpu.dma_semaphore, #tpu.memory_space<semaphore_mem>>) src(%dma_wait3A_78 : memref<1x64xf32, #tpu.memory_space<hbm>>) dst(%dma_wait3A_75 : memref<1x64xf32, #tpu.memory_space<hbm>>)
      %dma_wait3A_79 = arith.constant 0 : i32
      %dma_wait3A_80 = tpu.memref_slice %arg4[%mul3A_2, %dma_wait3A_79] : memref<16384x64xf32, #tpu.memory_space<hbm>> -> memref<1x64xf32, #tpu.memory_space<hbm>>
      %dma_wait3A_81 = arith.constant 0 : i32
      %dma_wait3A_82 = arith.constant 0 : i32
      %dma_wait3A_83 = tpu.memref_slice %arg3[%dma_wait3A_81, %dma_wait3A_82] : memref<1000000x64xf32, #tpu.memory_space<hbm>> -> memref<1x64xf32, #tpu.memory_space<hbm>>
      tpu.wait_dma2 semaphore(%arg6 : memref<!tpu.dma_semaphore, #tpu.memory_space<semaphore_mem>>) src(%dma_wait3A_83 : memref<1x64xf32, #tpu.memory_space<hbm>>) dst(%dma_wait3A_80 : memref<1x64xf32, #tpu.memory_space<hbm>>)
      %dma_wait3A_84 = arith.constant 0 : i32
      %dma_wait3A_85 = tpu.memref_slice %arg4[%mul3A_2, %dma_wait3A_84] : memref<16384x64xf32, #tpu.memory_space<hbm>> -> memref<1x64xf32, #tpu.memory_space<hbm>>
      %dma_wait3A_86 = arith.constant 0 : i32
      %dma_wait3A_87 = arith.constant 0 : i32
      %dma_wait3A_88 = tpu.memref_slice %arg3[%dma_wait3A_86, %dma_wait3A_87] : memref<1000000x64xf32, #tpu.memory_space<hbm>> -> memref<1x64xf32, #tpu.memory_space<hbm>>
      tpu.wait_dma2 semaphore(%arg6 : memref<!tpu.dma_semaphore, #tpu.memory_space<semaphore_mem>>) src(%dma_wait3A_88 : memref<1x64xf32, #tpu.memory_space<hbm>>) dst(%dma_wait3A_85 : memref<1x64xf32, #tpu.memory_space<hbm>>)
      %dma_wait3A_89 = arith.constant 0 : i32
      %dma_wait3A_90 = tpu.memref_slice %arg4[%mul3A_2, %dma_wait3A_89] : memref<16384x64xf32, #tpu.memory_space<hbm>> -> memref<1x64xf32, #tpu.memory_space<hbm>>
      %dma_wait3A_91 = arith.constant 0 : i32
      %dma_wait3A_92 = arith.constant 0 : i32
      %dma_wait3A_93 = tpu.memref_slice %arg3[%dma_wait3A_91, %dma_wait3A_92] : memref<1000000x64xf32, #tpu.memory_space<hbm>> -> memref<1x64xf32, #tpu.memory_space<hbm>>
      tpu.wait_dma2 semaphore(%arg6 : memref<!tpu.dma_semaphore, #tpu.memory_space<semaphore_mem>>) src(%dma_wait3A_93 : memref<1x64xf32, #tpu.memory_space<hbm>>) dst(%dma_wait3A_90 : memref<1x64xf32, #tpu.memory_space<hbm>>)
    }
    %scan3A_13 = arith.constant 32 : i32
    return
  }
}

</mosaic_0001>

<sc_bundles>
// kernel: kernel.3.cloned.1.call-start
scs
__scs_entry_jumppad:
0x0: {  	(pc) =	sbr.rel $0x88, $3  }
0x1: {  	(tag) =	ssettag $0x0;
	lr =	simm.s32 $0x1  }
0x2: {  	[smem:$0x3F9F] =	sst lr;
	_ =	strace $0xD0000000  }
0x3: {  	_ = 	snop  }
0x4: {  	_ = 	snop  }
0x5: {  	_ = 	snop  }
0x6: {  	_ = 	snop  }
0x7: {  	_ = 	snop  }
__scs_overlays_trampoline_lowered:
0x8: {  	[smem:$0x3FAE] =	sst s0  }
0x9: {  	[smem:$0x3FAF] =	sst s1  }
0xa: {  	[smem:$0x3FB0] =	sst s2  }
0xb: {  	[smem:$0x3FB1] =	sst s3  }
0xc: {  	[smem:$0x3FB2] =	sst s4  }
0xd: {  	[smem:$0x3FB3] =	sst s5  }
0xe: {  	[smem:$0x3FB4] =	sst s6  }
0xf: {  	[smem:$0x3FB5] =	sst s7  }
0x10: {  	[smem:$0x3FB6] =	sst s8  }
0x11: {  	[smem:$0x3FB7] =	sst s9;
	s0 =	simm.s32 @!p0 $0x0  }
0x12: {  	s1 =	sld [smem:$0x3F9D];
	s0 =	simm.s32 @p0 $0x1  }
0x13: {  	[smem:$0x3FB8] =	sst s0;
	s0 =	simm.s32 @!p1 $0x0  }
0x14: {  	s2 =	sld [smem:$0x3F9C];
	s0 =	simm.s32 @p1 $0x1  }
0x15: {  	[smem:$0x3FB9] =	sst s0;
	s0 =	simm.s32 @!p2 $0x0  }
0x16: {  	s3 =	sld [smem:$0x3FDB];
	s0 =	simm.s32 @p2 $0x1  }
0x17: {  	s4 =	simm.s32 $0x1BF5;
	[smem:$0x3FBB] =	sst s0  }
0x18: {  	s0 =	sld [smem:$0x3F9E];
	_ =	swait.ge [sflag:s4], $0x0  }
0x19: {  	s7 =	sld [smem:$0x3F9F]  }
0x1a: {  	s8 =	sadd.s32 $0xFFFFE003, lr  }
0x1b: {  	s9 =	sadd.s32 $0xFFFFFEF7, lr;
	s5 =	simm.s32 $0xFFFFFFFF;
	p2 =	slt.u32 s8, $0xFFFFF086  }
0x1c: {  	p1 =	slt.u32 s9, $0xF7A;
	s5 =	simm.s32 @!p2 $0x0  }
0x1d: {  	s5 =	simm.s32 @p1 $0x1;
	p0 =	seq.s32 s7, s2  }
0x1e: {  	s7 =	smul.u32 @!p0 $0xF7A, s2;
	p2 =	seq.s32 @!p0 s5, $0x0  }
0x1f: {  	s9 =	smul.u32 $0xF7A, s1;
	s8 =	simm.s32 @!p0 $0x1BF5;
	p2 =	por !p2, p0  }
0x20: {  	[sflag:s8] =	ssyncset.s32 @!p0 $0xFFFFF086;
	s6 =	sadd.s32 @!p0 s3, s7;
	s7 =	simm.s32 @!p0 $0x108  }
0x21: {  	s3 =	sadd.s32 s3, s9;
	s6 =	sadd.s32 @!p0 $0x88, s6;
	s7 =	simm.s32 @p2 $0x1082  }
0x22: {  	[simem:s7], [sflag:s8] =	dma.local @!p0 [hbm:s6], $0xF7A  }
0x23: {  	s9 =	sor.u32 $0xD0000000, s2;
	s6 =	simm.s32 $0x108;
	_ =	swait.ge @!p0 [sflag:s8], $0x0  }
0x24: {  	s3 =	sadd.s32 $0x88, s3;
	s6 =	simm.s32 @!p1 $0x1082;
	[sflag:s4] =	ssyncset.s32 $0xFFFFF086  }
0x25: {  	[simem:s6], [sflag:s4] =	dma.local [hbm:s3], $0xF7A  }
0x26: {  	[smem:$0x3F9F] =	sst s1;
	(tag) =	ssettag s2;
	_ =	strace s9  }
0x27: {  	s1 =	sld [smem:$0x3FAF]  }
0x28: {  	s2 =	sld [smem:$0x3FB0]  }
0x29: {  	s4 =	sld [smem:$0x3FB2]  }
0x2a: {  	p0 =	seq.s32 s5, $0x0;
	s5 =	sld [smem:$0x3FB3]  }
0x2b: {  	s6 =	sld [smem:$0x3FB4]  }
0x2c: {  	s7 =	sld [smem:$0x3FB5]  }
0x2d: {  	s3 =	simm.s32 $0x108;
	s8 =	sld [smem:$0x3FB6]  }
0x2e: {  	s3 =	simm.s32 @!p0 $0x1082;
	s9 =	sld [smem:$0x3FB7]  }
0x2f: {  	lr =	sadd.s32 s0, s3;
	s0 =	sld [smem:$0x3FAE]  }
0x30: {  	s3 =	sld [smem:$0x3FB1]  }
0x31: {  	[smem:$0x3FBA] =	sst s10  }
0x32: {  	s10 =	sld [smem:$0x3FB8];
	_ =	sdelay $0x3  }
0x33: {  	p0 =	seq.s32 s10, $0x1;
	s10 =	sld [smem:$0x3FBA];
	_ =	sdelay $0x3  }
0x34: {  	[smem:$0x3FBA] =	sst s10  }
0x35: {  	s10 =	sld [smem:$0x3FB9];
	_ =	sdelay $0x3  }
0x36: {  	p1 =	seq.s32 s10, $0x1;
	s10 =	sld [smem:$0x3FBA];
	_ =	sdelay $0x3  }
0x37: {  	[smem:$0x3FBA] =	sst s10  }
0x38: {  	s10 =	sld [smem:$0x3FBB]  }
0x39: {  	_ = 	snop;
	(pc) =	sbr.ind lr, $3  }
0x3a: {  	_ = 	snop  }
0x3b: {  	_ = 	snop  }
0x3c: {  	p2 =	seq.s32 s10, $0x1;
	s10 =	sld [smem:$0x3FBA]  }
0x3d: {  	_ =	shalt  }
0x3e: {  	_ =	shalt  }
0x3f: {  	_ =	shalt  }
0x40: {  	_ =	shalt  }
0x41: {  	_ =	shalt  }
0x42: {  	_ =	shalt  }
0x43: {  	_ =	shalt  }
0x44: {  	_ =	shalt  }
0x45: {  	_ =	shalt  }
0x46: {  	_ =	shalt  }
0x47: {  	_ =	shalt  }
0x48: {  	_ =	shalt  }
0x49: {  	_ =	shalt  }
0x4a: {  	_ =	shalt  }
0x4b: {  	_ =	shalt  }
0x4c: {  	_ =	shalt  }
0x4d: {  	_ =	shalt  }
0x4e: {  	_ =	shalt  }
0x4f: {  	_ =	shalt  }
0x50: {  	_ =	shalt  }
0x51: {  	_ =	shalt  }
0x52: {  	_ =	shalt  }
0x53: {  	_ =	shalt  }
0x54: {  	_ =	shalt  }
0x55: {  	_ =	shalt  }
0x56: {  	_ =	shalt  }
0x57: {  	_ =	shalt  }
0x58: {  	_ =	shalt  }
0x59: {  	_ =	shalt  }
0x5a: {  	_ =	shalt  }
0x5b: {  	_ =	shalt  }
0x5c: {  	_ =	shalt  }
0x5d: {  	_ =	shalt  }
0x5e: {  	_ =	shalt  }
0x5f: {  	_ =	shalt  }
0x60: {  	_ =	shalt  }
0x61: {  	_ =	shalt  }
0x62: {  	_ =	shalt  }
0x63: {  	_ =	shalt  }
0x64: {  	_ =	shalt  }
0x65: {  	_ =	shalt  }
0x66: {  	_ =	shalt  }
0x67: {  	_ =	shalt  }
0x68: {  	_ =	shalt  }
0x69: {  	_ =	shalt  }
0x6a: {  	_ =	shalt  }
0x6b: {  	_ =	shalt  }
0x6c: {  	_ =	shalt  }
0x6d: {  	_ =	shalt  }
0x6e: {  	_ =	shalt  }
0x6f: {  	_ =	shalt  }
0x70: {  	_ =	shalt  }
0x71: {  	_ =	shalt  }
0x72: {  	_ =	shalt  }
0x73: {  	_ =	shalt  }
0x74: {  	_ =	shalt  }
0x75: {  	_ =	shalt  }
0x76: {  	_ =	shalt  }
0x77: {  	_ =	shalt  }
0x78: {  	_ =	shalt  }
0x79: {  	_ =	shalt  }
0x7a: {  	_ =	shalt  }
0x7b: {  	_ =	shalt  }
0x7c: {  	_ =	shalt  }
0x7d: {  	_ =	shalt  }
0x7e: {  	_ =	shalt  }
0x7f: {  	_ =	shalt  }
0x80: {  	_ =	shalt  }
0x81: {  	_ =	shalt  }
0x82: {  	_ =	shalt  }
0x83: {  	_ =	shalt  }
0x84: {  	_ =	shalt  }
0x85: {  	_ =	shalt  }
0x86: {  	_ =	shalt  }
0x87: {  	_ =	shalt  }
.Lfunc_end0:
.L_simem_size_0:
called_computation_lowered:
.L_overlay_start_0:
0x88: {  	s2 =	sld [smem:$0x3FD9]  }
0x89: {  	s3 =	sld [smem:$0x3FFE];
	_ =	sdelay $0x1  }
0x8a: {  	s1 =	srdreg.scid  }
0x8b: {  	s0 =	sand.u32 $0x1, s1  }
0x8c: {  	s17 =	sshll.u32 s0, $0xA;
	s2 =	sadd.s32 s3, s2  }
0x8d: {  	s2 =	sadd.s32 s2, s17  }
0x8e: {  	[smem:$0x3FC6] =	sst s2  }
0x8f: {  	_ = 	snop  }
0x90: {  	s2 =	sld [smem:$0x3FC9];
	(tm) =	ssettm $0x1  }
0x91: {  	s18 =	sld [smem:$0x3FFB];
	_ =	sdelay $0x3  }
0x92: {  	_ =	strace s18  }
0x93: {  	s3 =	sld [smem:$0x3FFC];
	_ =	sdelay $0x3  }
0x94: {  	_ =	strace s3  }
0x95: {  	s3 =	sld [smem:$0x3FFD];
	_ =	sdelay $0x3  }
0x96: {  	_ =	strace s3  }
0x97: {  	_ =	strace $0x8FFFFFFF  }
0x98: {  	s19 =	sld [smem:$0x3FDB];
	_ =	sdelay $0x1  }
0x99: {  	s4 =	simm.s32 $_scs_section_size  }
0x9a: {  	s5 =	simm.s32 $_size__tile_overlayer_lowered;
	s6 =	simm.s32 $_tile_overlayer_lowered  }
0x9b: {  	s22 =	simm.s32 $0x1BFF;
	s21 =	sshll.u32 s6, $0x1;
	s3 =	sadd.s32 s4, s19  }
0x9c: {  	s7 =	simm.s32 $0x0;
	s20 =	sshll.u32 s5, $0x1;
	s5 =	sadd.s32 s21, s3  }
0x9d: {  	[timem:s7], [sflag:s22] =	dma.local [hbm:s5], s20  }
0x9e: {  	_ =	swait.ge [sflag:s22], s20  }
0x9f: {  	s4 =	ssub.s32 $0x0, s20;
	[sflag:s22] =	ssyncset.done $0x0  }
0xa0: {  	[sflag:s22] =	ssyncadd.s32 s4;
	_ =	sdelay $0x1  }
0xa1: {  	s23 =	simm.s32 $0x1B8B  }
0xa2: {  	_ =	swait.ge [sflag:s23], $0x1  }
0xa3: {  	[sflag:s23] =	ssyncset.done $0x0  }
0xa4: {  	s25 =	simm.s32 $0x1B8E;
	s24 =	sld [smem:$0x3FFE];
	[sflag:s23] =	ssyncadd.s32 $0xFFFFFFFF  }
0xa5: {  	s26 =	simm.s32 $execute0_lowered;
	[smem:$0x3FD2] =	sst s25  }
0xa6: {  	s5 =	sshll.u32 s26, $0x1;
	_ =	strace $0x80000046;
	[dreg:$0x1] =	wrdreg $0xFFFFFFFF  }
0xa7: {  	s28 =	simm.s32 $_size_execute0_lowered;
	s3 =	sadd.s32 s3, s5;
	[dreg:$0x0] =	wrdreg $0x0  }
0xa8: {  	s5 =	sshll.u32 s28, $0x1;
	[dreg:$0x2] =	wrdreg s3  }
0xa9: {  	[dreg:$0x3] =	wrdreg s5  }
0xaa: {  	[dreg:$0x4] =	wrdreg $0xC0  }
0xab: {  	_ =	task [dreg:s7], $0x5FFFF  }
0xac: {  	[dreg:$0x1] =	wrdreg $0xFFFFFFFF  }
0xad: {  	[dreg:$0x0] =	wrdreg $0x60  }
0xae: {  	[dreg:$0x2] =	wrdreg s2  }
0xaf: {  	[dreg:$0x3] =	wrdreg s24  }
0xb0: {  	[dreg:$0x4] =	wrdreg $0x9  }
0xb1: {  	_ =	task.clear_ibuf [dreg:s7], $0x5FFFF;
	_ =	strace $0x90000046  }
0xb2: {  	s29 =	simm.s32 $0x9;
	_ =	strace $0x80000048  }
0xb3: {  	_ =	swait.ge [sflag:s29], $0x1  }
0xb4: {  	[sflag:s29] =	ssyncadd.s32 $0xFFFFFFFF  }
0xb5: {  	_ =	strace $0x90000048  }
0xb6: {  	_ =	sfence  }
0xb7: {  	s30 =	sld [smem:$0x0];
	_ =	sdelay $0x2  }
0xb8: {  	s31 =	sshll.u32 s1, $0xD;
	s1 =	sshrl.u32 s1, $0x2  }
0xb9: {  	s3 =	sand.u32 $0x4000, s31;
	s1 =	sadd.s32 s1, s30  }
0xba: {  	s0 =	sor.u32 s3, s0;
	s1 =	sshll.u32 s1, $0x11  }
0xbb: {  	s0 =	sor.u32 s1, s0  }
0xbc: {  	s0 =	sadd.s32 $0x8F2B, s0  }
0xbd: {  	[sflag:s0] =	ssyncadd.remote.s32 $0x1  }
0xbe: {  	_ =	sfence.sel $0xFFFF  }
0xbf: {  	[dreg:$0x0] =	wrdreg $0xFFFFFFFF;
	(pc) =	sbr.abs _section_cstart, $3  }
0xc0: {  	[dreg:$0x1] =	wrdreg $0xFFFFFFFF  }
0xc1: {  	_ =	task.clear_ibuf [dreg:s7], $0x2FFFF;
	_ =	strace $0x9FFFFFFF  }
0xc2: {  	(tm) =	ssettm $0x7FFFFFFF  }
0xc3: {  	_ =	shalt  }
tec
execute0_lowered:
.L_overlay_start_1:
0x0: {  	(tag) =	ssettag $0x1  }
0x1: {  	s4 =	rddreg [dreg:$0x0]  }
0x2: {  	s5 =	rddreg [dreg:$0x1];
	s0 =	simm.s32 $0x0;
	s26 =	stileid.u32  }
0x3: {  	s7 =	srdreg.scid;
	[smem:$0x7FF] =	sst s0  }
0x4: {  	s6 =	sshll.u32 s26, $0xE;
	s3 =	sadd.s32 $0x400, s5;
	s28 =	sand.u32 $0x1, s7  }
0x5: {  	s8 =	sshll.u32 s26, $0xA;
	s31 =	sshll.u32 s26, $0x6;
	_ =	strace $0x80000047  }
0x6: {  	s5 =	sadd.s32 s6, s5;
	s9 =	sshll.u32 s28, $0x9;
	s6 =	sshll.u32 s28, $0xD  }
0x7: {  	s7 =	ssub.s32 $0x2, s28;
	s8 =	sor.u32 s9, s8;
	s6 =	sadd.s32 s6, s5  }
0x8: {  	s29 =	sshrl.u32 s7, $0x1;
	s8 =	sshrl.u32 s8, $0x3;
	s6 =	sadd.s32 $0xF42800, s6  }
0x9: {  	s7 =	ssub.s32 s7, s29;
	s1 =	sadd.s32 s4, s8;
	[dreg:$0x3] =	wrdreg s6  }
0xa: {  	s30 =	smax.u32 s7, $0x1;
	s7 =	sor.u32 $0x1C01, s31;
	[dreg:$0xb] =	wrdreg s1  }
0xb: {  	s8 =	simm.s32 $0x1;
	[dreg:$0xc] =	wrdreg s30;
	s1 =	simm.s32 $0x0  }
.LBB2_1:
0xc: {  	[dreg:$0xd] =	wrdreg s1  }
0xd: {  	s0 =	simm.s32 $0x0;
	s30 =	rddreg [dreg:$0xb];
	s31 =	simm.s32 $0x2  }
0xe: {  	[tilespmem:s0], [sflag:$0x2] =	stream.linear.gather [hbm4b:s30+s0], $0x200, $0x38;
	[tilespmem:$0x200] =	vst v63  }
0xf: {  	_ =	swait.ge [sflag:s31], $0x200  }
0x10: {  	[sflag:s31] =	ssyncset.done $0x0  }
0x11: {  	[sflag:s31] =	ssyncadd.s32 $0xFFFFFE00  }
0x12: {  	v0 =	vld [tilespmem:s0+$0x0];
	_ =	sdelay $0x4  }
0x13: {  	v0 =	vshll.u32 v0, $0x4  }
0x14: {  	(v2sf) =	vpush v0, $0x0  }
0x15: {  	(v2sf) =	vpush v0, $0x1  }
0x16: {  	(v2sf) =	vpush v0, $0xB  }
0x17: {  	s10 =	rddreg [dreg:$0x3];
	(v2sf) =	vpush v0, $0x9  }
0x18: {  	s10 =	sadd.s32 $0x0, s10;
	(v2sf) =	vpush v0, $0xC  }
0x19: {  	s11 =	simm.s32 $0x100;
	s12 =	simm.s32 $0x0;
	s20 =	sadd.s32 $0x10, s10;
	(v2sf) =	vpush v0, $0x4  }
.LBB2_2:
0x1a: {  	_ = 	snop  }
0x1b: {  	(v2sf) =	vpush v0, $0x5  }
0x1c: {  	(v2sf) =	vpush v0, $0x6  }
0x1d: {  	(v2sf) =	vpush v0, $0xD  }
0x1e: {  	(v2sf) =	vpush v0, $0x3  }
0x1f: {  	(v2sf) =	vpush v0, $0x7  }
0x20: {  	s0 =	sadd.s32 $0xC0, s10;
	s6 =	sadd.s32 $0x70, s10;
	(v2sf) =	vpush v0, $0x8  }
0x21: {  	s9 =	smov.u32 s11;
	s13 =	sadd.s32 $0x30, s10;
	[dreg:$0x5] =	wrdreg s0;
	(v2sf) =	vpush v0, $0xE  }
0x22: {  	s14 =	sadd.s32 $0x40, s10;
	s21 =	sadd.s32 $0x20, s10;
	[dreg:$0x7] =	wrdreg s6;
	(v2sf) =	vpush v0, $0x2  }
0x23: {  	s15 =	sadd.s32 $0xF0, s10;
	[dreg:$0x4] =	wrdreg s9;
	s25 =	spop (v2sf);
	(v2sf) =	vpush v0, $0xF  }
0x24: {  	s16 =	sadd.s32 $0xB0, s10;
	[dreg:$0xa] =	wrdreg s13;
	s24 =	spop (v2sf);
	(v2sf) =	vpush v0, $0xA  }
0x25: {  	s22 =	sadd.s32 $0x80, s10;
	s23 =	sadd.s32 $0xA0, s10;
	[dreg:$0x9] =	wrdreg s14  }
0x26: {  	s28 =	sadd.s32 $0x60, s10;
	[dreg:$0x6] =	wrdreg s15;
	s29 =	spop (v2sf)  }
0x27: {  	[dreg:$0x8] =	wrdreg s16;
	s25 =	sand.u32 $0x1FFFFFF0, s25;
	s30 =	spop (v2sf)  }
0x28: {  	s26 =	sand.u32 $0x1FFFFFF0, s24;
	s24 =	sadd.s32 $0x90, s10;
	s18 =	spop (v2sf)  }
0x29: {  	s31 =	sadd.s32 s3, s25;
	s25 =	sadd.s32 $0xE0, s10;
	s1 =	spop (v2sf)  }
0x2a: {  	s13 =	sadd.s32 s3, s26;
	s17 =	sand.u32 $0x1FFFFFF0, s29;
	s2 =	spop (v2sf)  }
0x2b: {  	s26 =	sadd.s32 s3, s17;
	s30 =	sand.u32 $0x1FFFFFF0, s30;
	s4 =	spop (v2sf)  }
0x2c: {  	s29 =	sand.u32 $0x1FFFFFF0, s18;
	s30 =	sadd.s32 s3, s30;
	s5 =	spop (v2sf)  }
0x2d: {  	s18 =	sadd.s32 $0xD0, s10;
	s1 =	sand.u32 $0x1FFFFFF0, s1;
	s6 =	spop (v2sf)  }
0x2e: {  	s29 =	sadd.s32 s3, s29;
	s1 =	sadd.s32 s3, s1;
	s9 =	spop (v2sf)  }
0x2f: {  	s2 =	sand.u32 $0x1FFFFFF0, s2;
	s4 =	sand.u32 $0x1FFFFFF0, s4;
	s19 =	spop (v2sf)  }
0x30: {  	s2 =	sadd.s32 s3, s2;
	s4 =	sadd.s32 s3, s4;
	s14 =	spop (v2sf)  }
0x31: {  	s5 =	sand.u32 $0x1FFFFFF0, s5;
	s6 =	sand.u32 $0x1FFFFFF0, s6;
	s15 =	spop (v2sf)  }
0x32: {  	s6 =	sadd.s32 s3, s6;
	s15 =	sand.u32 $0x1FFFFFF0, s15;
	s16 =	spop (v2sf)  }
0x33: {  	s9 =	sand.u32 $0x1FFFFFF0, s9;
	s15 =	sadd.s32 s3, s15;
	s17 =	spop (v2sf)  }
0x34: {  	[hbm:s10], [sflag:s7] =	dma.local [hbm:s31], $0x10  }
0x35: {  	[hbm:s20], [sflag:s7] =	dma.local [hbm:s13], $0x10  }
0x36: {  	[hbm:s21], [sflag:s7] =	dma.local [hbm:s15], $0x10  }
0x37: {  	s0 =	sand.u32 $0x1FFFFFF0, s19;
	s9 =	sadd.s32 s3, s9;
	s20 =	rddreg [dreg:$0xa]  }
0x38: {  	[hbm:s20], [sflag:s7] =	dma.local [hbm:s6], $0x10  }
0x39: {  	s19 =	sadd.s32 $0x50, s10;
	s17 =	sand.u32 $0x1FFFFFF0, s17;
	s6 =	rddreg [dreg:$0x9]  }
0x3a: {  	[hbm:s6], [sflag:s7] =	dma.local [hbm:s1], $0x10  }
0x3b: {  	[hbm:s19], [sflag:s7] =	dma.local [hbm:s2], $0x10  }
0x3c: {  	[hbm:s28], [sflag:s7] =	dma.local [hbm:s4], $0x10  }
0x3d: {  	s0 =	sadd.s32 s3, s0;
	s17 =	sadd.s32 s3, s17;
	s21 =	rddreg [dreg:$0x7]  }
0x3e: {  	[hbm:s21], [sflag:s7] =	dma.local [hbm:s9], $0x10  }
0x3f: {  	[hbm:s22], [sflag:s7] =	dma.local [hbm:s0], $0x10  }
0x40: {  	[hbm:s24], [sflag:s7] =	dma.local [hbm:s30], $0x10  }
0x41: {  	[hbm:s23], [sflag:s7] =	dma.local [hbm:s17], $0x10  }
0x42: {  	s5 =	sadd.s32 s3, s5;
	s14 =	sand.u32 $0x1FFFFFF0, s14;
	s28 =	rddreg [dreg:$0x8]  }
0x43: {  	[hbm:s28], [sflag:s7] =	dma.local [hbm:s26], $0x10  }
0x44: {  	s14 =	sadd.s32 s3, s14;
	s16 =	sand.u32 $0x1FFFFFF0, s16;
	s0 =	rddreg [dreg:$0x5]  }
0x45: {  	[hbm:s0], [sflag:s7] =	dma.local [hbm:s29], $0x10  }
0x46: {  	[hbm:s18], [sflag:s7] =	dma.local [hbm:s5], $0x10  }
0x47: {  	[hbm:s25], [sflag:s7] =	dma.local [hbm:s14], $0x10  }
0x48: {  	s12 =	sadd.s32 $0x10, s12;
	s16 =	sadd.s32 s3, s16;
	s30 =	rddreg [dreg:$0x6]  }
0x49: {  	[hbm:s30], [sflag:s7] =	dma.local [hbm:s16], $0x10  }
0x4a: {  	v0 =	vld [tilespmem:s12+$0x0];
	_ =	sdelay $0x4  }
0x4b: {  	v0 =	vshll.u32 v0, $0x4  }
0x4c: {  	p0 =	sne.s32 s11, $0x1F00;
	(v2sf) =	vpush v0, $0x0  }
.Ltmp0:
0x4d: {  	(v2sf) =	vpush v0, $0x1;
	(pc) =	sbr.rel @p0 .LBB2_2-.Ltmp0, $4  }
0x4e: {  	s0 =	rddreg [dreg:$0x3];
	(v2sf) =	vpush v0, $0xB  }
0x4f: {  	s31 =	rddreg [dreg:$0x4];
	(v2sf) =	vpush v0, $0x9  }
0x50: {  	s10 =	sadd.s32 s31, s0;
	(v2sf) =	vpush v0, $0xC  }
0x51: {  	s11 =	sadd.s32 $0x100, s11;
	s20 =	sadd.s32 $0x10, s10;
	(v2sf) =	vpush v0, $0x4  }
0x52: {  	(v2sf) =	vpush v0, $0x5  }
0x53: {  	(v2sf) =	vpush v0, $0x6  }
0x54: {  	(v2sf) =	vpush v0, $0xD  }
0x55: {  	(v2sf) =	vpush v0, $0x3  }
0x56: {  	(v2sf) =	vpush v0, $0x7  }
0x57: {  	(v2sf) =	vpush v0, $0x8  }
0x58: {  	(v2sf) =	vpush v0, $0xE  }
0x59: {  	(v2sf) =	vpush v0, $0x2  }
0x5a: {  	(v2sf) =	vpush v0, $0xF  }
0x5b: {  	s0 =	spop (v2sf);
	(v2sf) =	vpush v0, $0xA  }
0x5c: {  	s1 =	spop (v2sf)  }
0x5d: {  	s2 =	spop (v2sf)  }
0x5e: {  	s4 =	spop (v2sf)  }
0x5f: {  	s5 =	spop (v2sf)  }
0x60: {  	s6 =	spop (v2sf)  }
0x61: {  	s9 =	spop (v2sf)  }
0x62: {  	s11 =	spop (v2sf)  }
0x63: {  	s12 =	spop (v2sf)  }
0x64: {  	s13 =	spop (v2sf)  }
0x65: {  	s14 =	spop (v2sf)  }
0x66: {  	s15 =	spop (v2sf)  }
0x67: {  	s16 =	spop (v2sf)  }
0x68: {  	s17 =	spop (v2sf)  }
0x69: {  	s0 =	sand.u32 $0x1FFFFFF0, s0;
	s18 =	spop (v2sf)  }
0x6a: {  	s0 =	sadd.s32 s3, s0;
	s22 =	sand.u32 $0x1FFFFFF0, s1;
	s19 =	spop (v2sf)  }
0x6b: {  	[hbm:s10], [sflag:s7] =	dma.local [hbm:s0], $0x10  }
0x6c: {  	s23 =	sand.u32 $0x1FFFFFF0, s17;
	s0 =	sadd.s32 s3, s22  }
0x6d: {  	[hbm:s20], [sflag:s7] =	dma.local [hbm:s0], $0x10  }
0x6e: {  	s24 =	sadd.s32 $0x20, s10;
	s25 =	sand.u32 $0x1FFFFFF0, s13;
	s0 =	sadd.s32 s3, s23  }
0x6f: {  	[hbm:s24], [sflag:s7] =	dma.local [hbm:s0], $0x10  }
0x70: {  	s26 =	sadd.s32 $0x30, s10;
	s28 =	sand.u32 $0x1FFFFFF0, s6;
	s0 =	sadd.s32 s3, s25  }
0x71: {  	[hbm:s26], [sflag:s7] =	dma.local [hbm:s0], $0x10  }
0x72: {  	s29 =	sadd.s32 $0x40, s10;
	s30 =	sand.u32 $0x1FFFFFF0, s9;
	s0 =	sadd.s32 s3, s28  }
0x73: {  	[hbm:s29], [sflag:s7] =	dma.local [hbm:s0], $0x10  }
0x74: {  	s31 =	sadd.s32 $0x50, s10;
	s1 =	sand.u32 $0x1FFFFFF0, s11;
	s0 =	sadd.s32 s3, s30  }
0x75: {  	[hbm:s31], [sflag:s7] =	dma.local [hbm:s0], $0x10  }
0x76: {  	s6 =	sadd.s32 $0x60, s10;
	s9 =	sand.u32 $0x1FFFFFF0, s14;
	s0 =	sadd.s32 s3, s1  }
0x77: {  	[hbm:s6], [sflag:s7] =	dma.local [hbm:s0], $0x10  }
0x78: {  	s11 =	sadd.s32 $0x70, s10;
	s13 =	sand.u32 $0x1FFFFFF0, s15;
	s0 =	sadd.s32 s3, s9  }
0x79: {  	[hbm:s11], [sflag:s7] =	dma.local [hbm:s0], $0x10  }
0x7a: {  	s14 =	sadd.s32 $0x80, s10;
	s15 =	sand.u32 $0x1FFFFFF0, s4;
	s0 =	sadd.s32 s3, s13  }
0x7b: {  	[hbm:s14], [sflag:s7] =	dma.local [hbm:s0], $0x10  }
0x7c: {  	s17 =	sadd.s32 $0x90, s10;
	s19 =	sand.u32 $0x1FFFFFF0, s19;
	s0 =	sadd.s32 s3, s15  }
0x7d: {  	[hbm:s17], [sflag:s7] =	dma.local [hbm:s0], $0x10  }
0x7e: {  	s21 =	sand.u32 $0x1FFFFFF0, s2;
	s20 =	sadd.s32 $0xA0, s10;
	s0 =	sadd.s32 s3, s19  }
0x7f: {  	[hbm:s20], [sflag:s7] =	dma.local [hbm:s0], $0x10  }
0x80: {  	s22 =	sadd.s32 $0xB0, s10;
	s23 =	sand.u32 $0x1FFFFFF0, s5;
	s0 =	sadd.s32 s3, s21  }
0x81: {  	[hbm:s22], [sflag:s7] =	dma.local [hbm:s0], $0x10  }
0x82: {  	s24 =	sadd.s32 $0xC0, s10;
	s25 =	sand.u32 $0x1FFFFFF0, s12;
	s0 =	sadd.s32 s3, s23  }
0x83: {  	[hbm:s24], [sflag:s7] =	dma.local [hbm:s0], $0x10  }
0x84: {  	s26 =	sadd.s32 $0xD0, s10;
	s28 =	sand.u32 $0x1FFFFFF0, s16;
	s0 =	sadd.s32 s3, s25  }
0x85: {  	[hbm:s26], [sflag:s7] =	dma.local [hbm:s0], $0x10  }
0x86: {  	s29 =	sadd.s32 $0xE0, s10;
	s30 =	sand.u32 $0x1FFFFFF0, s18;
	s0 =	sadd.s32 s3, s28  }
0x87: {  	[hbm:s29], [sflag:s7] =	dma.local [hbm:s0], $0x10  }
0x88: {  	s31 =	sadd.s32 $0xF0, s10;
	s0 =	sadd.s32 s3, s30  }
0x89: {  	[hbm:s31], [sflag:s7] =	dma.local [hbm:s0], $0x10  }
0x8a: {  	_ =	swait.ge [sflag:s8], $0x10  }
0x8b: {  	[sflag:s8] =	ssyncset.done $0x0  }
0x8c: {  	[sflag:s8] =	ssyncadd.s32 $0xFFFFFFF0  }
0x8d: {  	_ =	swait.ge [sflag:s8], $0x10  }
0x8e: {  	[sflag:s8] =	ssyncset.done $0x0  }
0x8f: {  	[sflag:s8] =	ssyncadd.s32 $0xFFFFFFF0  }
0x90: {  	_ =	swait.ge [sflag:s8], $0x10  }
0x91: {  	[sflag:s8] =	ssyncset.done $0x0  }
0x92: {  	[sflag:s8] =	ssyncadd.s32 $0xFFFFFFF0  }
0x93: {  	_ =	swait.ge [sflag:s8], $0x10  }
0x94: {  	[sflag:s8] =	ssyncset.done $0x0  }
0x95: {  	[sflag:s8] =	ssyncadd.s32 $0xFFFFFFF0  }
0x96: {  	_ =	swait.ge [sflag:s8], $0x10  }
0x97: {  	[sflag:s8] =	ssyncset.done $0x0  }
0x98: {  	[sflag:s8] =	ssyncadd.s32 $0xFFFFFFF0  }
0x99: {  	_ =	swait.ge [sflag:s8], $0x10  }
0x9a: {  	[sflag:s8] =	ssyncset.done $0x0  }
0x9b: {  	[sflag:s8] =	ssyncadd.s32 $0xFFFFFFF0  }
0x9c: {  	_ =	swait.ge [sflag:s8], $0x10  }
0x9d: {  	[sflag:s8] =	ssyncset.done $0x0  }
0x9e: {  	[sflag:s8] =	ssyncadd.s32 $0xFFFFFFF0  }
0x9f: {  	_ =	swait.ge [sflag:s8], $0x10  }
0xa0: {  	[sflag:s8] =	ssyncset.done $0x0  }
0xa1: {  	[sflag:s8] =	ssyncadd.s32 $0xFFFFFFF0  }
0xa2: {  	_ =	swait.ge [sflag:s8], $0x10  }
0xa3: {  	[sflag:s8] =	ssyncset.done $0x0  }
0xa4: {  	[sflag:s8] =	ssyncadd.s32 $0xFFFFFFF0  }
0xa5: {  	_ =	swait.ge [sflag:s8], $0x10  }
0xa6: {  	[sflag:s8] =	ssyncset.done $0x0  }
0xa7: {  	[sflag:s8] =	ssyncadd.s32 $0xFFFFFFF0  }
0xa8: {  	_ =	swait.ge [sflag:s8], $0x10  }
0xa9: {  	[sflag:s8] =	ssyncset.done $0x0  }
0xaa: {  	[sflag:s8] =	ssyncadd.s32 $0xFFFFFFF0  }
0xab: {  	_ =	swait.ge [sflag:s8], $0x10  }
0xac: {  	[sflag:s8] =	ssyncset.done $0x0  }
0xad: {  	[sflag:s8] =	ssyncadd.s32 $0xFFFFFFF0  }
0xae: {  	_ =	swait.ge [sflag:s8], $0x10  }
0xaf: {  	[sflag:s8] =	ssyncset.done $0x0  }
0xb0: {  	[sflag:s8] =	ssyncadd.s32 $0xFFFFFFF0  }
0xb1: {  	_ =	swait.ge [sflag:s8], $0x10  }
0xb2: {  	[sflag:s8] =	ssyncset.done $0x0  }
0xb3: {  	[sflag:s8] =	ssyncadd.s32 $0xFFFFFFF0  }
0xb4: {  	_ =	swait.ge [sflag:s8], $0x10  }
0xb5: {  	[sflag:s8] =	ssyncset.done $0x0  }
0xb6: {  	[sflag:s8] =	ssyncadd.s32 $0xFFFFFFF0  }
0xb7: {  	_ =	swait.ge [sflag:s8], $0x10  }
0xb8: {  	s10 =	simm.s32 $0x1F;
	[sflag:s8] =	ssyncset.done $0x0  }
.LBB2_4:
0xb9: {  	p0 =	sne.s32 s10, $0x1;
	s10 =	sadd.s32 $0xFFFFFFFF, s10;
	[sflag:s8] =	ssyncadd.s32 $0xFFFFFFF0  }
0xba: {  	_ =	swait.ge [sflag:s8], $0x10  }
0xbb: {  	[sflag:s8] =	ssyncset.done $0x0  }
0xbc: {  	[sflag:s8] =	ssyncadd.s32 $0xFFFFFFF0  }
0xbd: {  	_ =	swait.ge [sflag:s8], $0x10  }
0xbe: {  	[sflag:s8] =	ssyncset.done $0x0  }
0xbf: {  	[sflag:s8] =	ssyncadd.s32 $0xFFFFFFF0  }
0xc0: {  	_ =	swait.ge [sflag:s8], $0x10  }
0xc1: {  	[sflag:s8] =	ssyncset.done $0x0  }
0xc2: {  	[sflag:s8] =	ssyncadd.s32 $0xFFFFFFF0  }
0xc3: {  	_ =	swait.ge [sflag:s8], $0x10  }
0xc4: {  	[sflag:s8] =	ssyncset.done $0x0  }
0xc5: {  	[sflag:s8] =	ssyncadd.s32 $0xFFFFFFF0  }
0xc6: {  	_ =	swait.ge [sflag:s8], $0x10  }
0xc7: {  	[sflag:s8] =	ssyncset.done $0x0  }
0xc8: {  	[sflag:s8] =	ssyncadd.s32 $0xFFFFFFF0  }
0xc9: {  	_ =	swait.ge [sflag:s8], $0x10  }
0xca: {  	[sflag:s8] =	ssyncset.done $0x0  }
0xcb: {  	[sflag:s8] =	ssyncadd.s32 $0xFFFFFFF0  }
0xcc: {  	_ =	swait.ge [sflag:s8], $0x10  }
0xcd: {  	[sflag:s8] =	ssyncset.done $0x0  }
0xce: {  	[sflag:s8] =	ssyncadd.s32 $0xFFFFFFF0  }
0xcf: {  	_ =	swait.ge [sflag:s8], $0x10  }
0xd0: {  	[sflag:s8] =	ssyncset.done $0x0  }
0xd1: {  	[sflag:s8] =	ssyncadd.s32 $0xFFFFFFF0  }
0xd2: {  	_ =	swait.ge [sflag:s8], $0x10  }
0xd3: {  	[sflag:s8] =	ssyncset.done $0x0  }
0xd4: {  	[sflag:s8] =	ssyncadd.s32 $0xFFFFFFF0  }
0xd5: {  	_ =	swait.ge [sflag:s8], $0x10  }
0xd6: {  	[sflag:s8] =	ssyncset.done $0x0  }
0xd7: {  	[sflag:s8] =	ssyncadd.s32 $0xFFFFFFF0  }
0xd8: {  	_ =	swait.ge [sflag:s8], $0x10  }
0xd9: {  	[sflag:s8] =	ssyncset.done $0x0  }
0xda: {  	[sflag:s8] =	ssyncadd.s32 $0xFFFFFFF0  }
0xdb: {  	_ =	swait.ge [sflag:s8], $0x10  }
0xdc: {  	[sflag:s8] =	ssyncset.done $0x0  }
0xdd: {  	[sflag:s8] =	ssyncadd.s32 $0xFFFFFFF0  }
0xde: {  	_ =	swait.ge [sflag:s8], $0x10  }
0xdf: {  	[sflag:s8] =	ssyncset.done $0x0  }
0xe0: {  	[sflag:s8] =	ssyncadd.s32 $0xFFFFFFF0  }
0xe1: {  	_ =	swait.ge [sflag:s8], $0x10  }
0xe2: {  	[sflag:s8] =	ssyncset.done $0x0  }
0xe3: {  	[sflag:s8] =	ssyncadd.s32 $0xFFFFFFF0  }
.Ltmp1:
0xe4: {  	_ =	swait.ge [sflag:s8], $0x10;
	(pc) =	sbr.rel @p0 .LBB2_4-.Ltmp1, $4  }
0xe5: {  	[sflag:s8] =	ssyncset.done $0x0  }
0xe6: {  	[sflag:s8] =	ssyncadd.s32 $0xFFFFFFF0  }
0xe7: {  	_ =	swait.ge [sflag:s8], $0x10  }
0xe8: {  	[sflag:s8] =	ssyncset.done $0x0  }
0xe9: {  	s1 =	rddreg [dreg:$0xd]  }
0xea: {  	s0 =	rddreg [dreg:$0xc];
	s1 =	sadd.s32 $0x1, s1  }
0xeb: {  	p0 =	sne.s32 s1, s0  }
.Ltmp2:
0xec: {  	_ = 	snop;
	(pc) =	sbr.rel @p0 .LBB2_1-.Ltmp2, $2  }
0xed: {  	_ =	sdelay $0x2  }
0xee: {  	[sflag:s8] =	ssyncadd.s32 $0xFFFFFFF0  }
0xef: {  	_ =	sfence.sel $0x180000  }
0xf0: {  	[bflag:$0x0] =	sbarrier.arrive $0xFFFF  }
0xf1: {  	_ =	strace $0x90000047  }
0xf2: {  	s0 =	stileid.u32;
	[bflag:$0x2] =	sbarrier.arrive $0xFFFF  }
0xf3: {  	p0 =	sne.s32 s0, $0x0;
	s0 =	rddreg [dreg:$0x2]  }
0xf4: {  	s0 =	sadd.s32 @!p0 $0x100000, s0  }
0xf5: {  	[sflag:s0] =	ssyncadd.tile.s32 @!p0 $0x1;
	_ =	shalt  }
.Lfunc_end2:
_tile_overlayer_lowered:
.L_overlay_start_2:
0xf6: {  	(tag) =	ssettag $0x2  }
0xf7: {  	s0 =	rddreg [dreg:$0x0];
	s2 =	stileid.u32  }
0xf8: {  	s1 =	rddreg [dreg:$0x1];
	p0 =	sne.s32 s2, $0x0  }
0xf9: {  	s3 =	rddreg [dreg:$0x2];
	[bflag:$0x3] =	sbarrier.arrive $0xFFFF;
	s2 =	simm.s32 @!p0 $0x1C02  }
0xfa: {  	[timem:s3], [sflag:s2] =	dma.local @!p0 [hbm:s0], s1  }
0xfb: {  	s0 =	simm.s32 @!p0 $0x2  }
0xfc: {  	_ =	swait.ge @!p0 [sflag:s0], s1  }
0xfd: {  	s1 =	ssub.s32 @!p0 $0x0, s1;
	[sflag:s0] =	ssyncset.done @!p0 $0x0  }
0xfe: {  	[sflag:s0] =	ssyncadd.s32 @!p0 s1  }
0xff: {  	[bflag:$0x3] =	sbarrier.arrive $0xFFFF  }
0x100: {  	_ =	shalt  }

</sc_bundles>
